<compile_context>
chip_gen: v7x
topology: tpu7x:2x2x1
jax: 0.10.2.dev20260603
libtpu: 0.0.44.dev20260713+nightly
codegen_flags: <defaults>
</compile_context>

<pallas_src>
import functools
import math

import jax
import jax.numpy as jnp
from jax import lax
from jax.experimental import pallas as pl
from jax.experimental.pallas import tpu as pltpu
from jax.experimental.pallas import tpu_sc as plsc

_SEQ = 4096
_BATCH = 4
_DIM = 64
_SCALE = math.sqrt(_DIM)

_NC = 2
_NS = 16
_NW = _NC * _NS
_ROWS = _SEQ * _BATCH
_RPW = _ROWS // _NW
_SPW = _SEQ // _NW
_CHUNK = 128
_NCHUNK = _RPW // _CHUNK
_LANES = 16


@functools.partial(
    pl.kernel,
    out_type=jax.ShapeDtypeStruct((_ROWS, _DIM), jnp.float32),
    mesh=plsc.VectorSubcoreMesh(core_axis_name="c", subcore_axis_name="s"),
    scratch_types=[
        pltpu.VMEM((_NCHUNK, _CHUNK), jnp.int32),
        pltpu.VMEM((_RPW, _DIM), jnp.float32),
        pltpu.VMEM((_SPW, _DIM), jnp.float32),
        pltpu.SemaphoreType.DMA,
    ],
    compiler_params=pltpu.CompilerParams(use_tc_tiling_on_sc=False),
)
def _pe_embed(idx_hbm, table_hbm, pe_hbm, out_hbm, idx_v, rows_v, pe_v, sem):
    wid = lax.axis_index("s") * _NC + lax.axis_index("c")
    base = wid * _RPW
    sbase = wid * _SPW

    pltpu.sync_copy(idx_hbm.at[pl.ds(wid * _NCHUNK, _NCHUNK)], idx_v)

    copies = []
    for j in range(_NCHUNK):
        copies.append(
            pltpu.async_copy(
                table_hbm.at[idx_v.at[j]],
                rows_v.at[pl.ds(j * _CHUNK, _CHUNK)],
                sem,
            )
        )
    pltpu.sync_copy(pe_hbm.at[pl.ds(sbase, _SPW)], pe_v)
    for cp in copies:
        cp.wait()

    def body(s, carry):
        r0 = s * _BATCH
        for c in range(_DIM // _LANES):
            pvec = pe_v[s, pl.ds(c * _LANES, _LANES)]
            for b in range(_BATCH):
                rv = rows_v[r0 + b, pl.ds(c * _LANES, _LANES)]
                rows_v[r0 + b, pl.ds(c * _LANES, _LANES)] = rv * _SCALE + pvec
        return carry

    lax.fori_loop(0, _SPW, body, 0)

    pltpu.sync_copy(rows_v, out_hbm.at[pl.ds(base, _RPW)])


def kernel(x, table, pe):
    idx2d = x.reshape(_NW * _NCHUNK, _CHUNK)
    pe2d = pe[:_SEQ, 0, :]
    out = _pe_embed(idx2d, table, pe2d)
    return out.reshape(_SEQ, _BATCH, _DIM)

# --- scband reference (transcript-rebuilt; emitter-appended) ---
"""Pipeline reference for scband-positional-encoding-48567490183937 (READ-ONLY COPY).

The authoritative reference and input builder live on the scoring server;
editing this copy changes nothing except your own understanding.
"""

import jax, jax.numpy as jnp
import numpy as np
import math

VOCAB = 1000000
DIM = 64
MAX_LEN = 5000
SEQ = 4096
BATCH = 4
SCALE = math.sqrt(DIM)


def _make_pe():
    position = np.arange(MAX_LEN, dtype=np.float32)[:, None]
    div_term = np.exp(np.arange(0, DIM, 2, dtype=np.float32) * (-math.log(10000.0) / DIM))
    pe = np.zeros((MAX_LEN, 1, DIM), dtype=np.float32)
    pe[:, 0, 0::2] = np.sin(position * div_term)
    pe[:, 0, 1::2] = np.cos(position * div_term)
    return jnp.asarray(pe)


def setup_inputs(seed: int = 0) -> dict:
    key = jax.random.key(seed)
    k_idx, k_tab = jax.random.split(key)
    x = jax.random.randint(k_idx, (SEQ, BATCH), 0, VOCAB, dtype=jnp.int32)
    # nn.Embedding weight initialized uniform(-0.1, 0.1) per reset_parameters()
    table = jax.random.uniform(k_tab, (VOCAB, DIM), dtype=jnp.float32, minval=-0.1, maxval=0.1)
    pe = _make_pe()
    return {"x": x, "table": table, "pe": pe}


def reference(x, table, pe):
    # x: int[seq_len, batch]; embedding lookup -> [seq_len, batch, DIM]
    emb = jnp.take(table, x, axis=0) * SCALE
    out = emb + pe[: x.shape[0]]  # pe[:S] is [S, 1, DIM], broadcasts over batch
    # dropout p=0.0 -> identity
    return out

if __name__ == "__main__":
    import jax
    _d = setup_inputs()
    print(jax.jit(kernel)(*tuple(_d.values())))

</pallas_src>

<mosaic_0001>
#map = affine_map<(d0, d1) -> (0, 0)>
module attributes {stable_mosaic.version = 14 : i64} {
  func.func @_pe_embed(%arg0: i32, %arg1: i32, %arg2: memref<128x128xi32, #tpu.memory_space<hbm>>, %arg3: memref<1000000x64xf32, #tpu.memory_space<hbm>>, %arg4: memref<4096x64xf32, #tpu.memory_space<hbm>>, %arg5: memref<16384x64xf32, #tpu.memory_space<hbm>>, %arg6: memref<4x128xi32, #tpu.memory_space<vmem>>, %arg7: memref<512x64xf32, #tpu.memory_space<vmem>>, %arg8: memref<128x64xf32, #tpu.memory_space<vmem>>, %arg9: memref<!tpu.dma_semaphore, #tpu.memory_space<semaphore_mem>>) attributes {dimension_semantics = [#tpu.dimension_semantics<core_parallel>, #tpu.dimension_semantics<subcore_parallel>], iteration_bounds = array<i64: 2, 16>, scalar_prefetch = 0 : i64, scratch_operands = 4 : i64, tpu.core_type = #tpu.core_type<sc_vector_subcore>, window_params = [{transform_indices = #map}, {transform_indices = #map}, {transform_indices = #map}, {transform_indices = #map}]} {
    %mul3A = arith.constant 2 : i32
    %mul3A_0 = arith.muli %arg1, %mul3A : i32
    %add3A = arith.addi %mul3A_0, %arg0 : i32
    %mul3A_1 = arith.constant 512 : i32
    %mul3A_2 = arith.muli %add3A, %mul3A_1 : i32
    %mul3A_3 = arith.constant 128 : i32
    %mul3A_4 = arith.muli %add3A, %mul3A_3 : i32
    %mul3A_5 = arith.constant 4 : i32
    %mul3A_6 = arith.muli %add3A, %mul3A_5 : i32
    "tpu.region"() ({
      %run_scoped3A = tpu.sem_alloc : memref<!tpu.dma_semaphore, #tpu.memory_space<semaphore_mem>>
      %dma_start3A_90 = arith.constant 0 : i32
      %dma_start3A_91 = tpu.memref_slice %arg2[%mul3A_6, %dma_start3A_90] : memref<128x128xi32, #tpu.memory_space<hbm>> -> memref<4x128xi32, #tpu.memory_space<hbm>>
      %dma_start3A_92 = arith.constant 0 : i32
      %dma_start3A_93 = tpu.memref_slice %arg2[%mul3A_6, %dma_start3A_92] : memref<128x128xi32, #tpu.memory_space<hbm>> -> memref<4x128xi32, #tpu.memory_space<hbm>>
      tpu.enqueue_dma source(%dma_start3A_93 : memref<4x128xi32, #tpu.memory_space<hbm>>) target(%arg6 : memref<4x128xi32, #tpu.memory_space<vmem>>) target_semaphore(%run_scoped3A : memref<!tpu.dma_semaphore, #tpu.memory_space<semaphore_mem>>)
      %dma_wait3A_94 = arith.constant 0 : i32
      %dma_wait3A_95 = tpu.memref_slice %arg2[%mul3A_6, %dma_wait3A_94] : memref<128x128xi32, #tpu.memory_space<hbm>> -> memref<4x128xi32, #tpu.memory_space<hbm>>
      %dma_wait3A_96 = arith.constant 0 : i32
      %dma_wait3A_97 = tpu.memref_slice %arg2[%mul3A_6, %dma_wait3A_96] : memref<128x128xi32, #tpu.memory_space<hbm>> -> memref<4x128xi32, #tpu.memory_space<hbm>>
      tpu.wait_dma2 semaphore(%run_scoped3A : memref<!tpu.dma_semaphore, #tpu.memory_space<semaphore_mem>>) src(%dma_wait3A_97 : memref<4x128xi32, #tpu.memory_space<hbm>>) dst(%arg6 : memref<4x128xi32, #tpu.memory_space<vmem>>)
      tpu.yield
    }) : () -> ()
    %dma_start3A = arith.constant 0 : i32
    %dma_start3A_7 = arith.constant 0 : i32
    %dma_start3A_8 = arith.constant 0 : i32
    %dma_start3A_9 = tpu.memref_slice %arg7[%dma_start3A_7, %dma_start3A_8] : memref<512x64xf32, #tpu.memory_space<vmem>> -> memref<128x64xf32, #tpu.memory_space<vmem>>
    %dma_start3A_10 = arith.constant 0 : i32
    %dma_start3A_11 = tpu.memref_slice %arg6[%dma_start3A, %dma_start3A_10] : memref<4x128xi32, #tpu.memory_space<vmem>> -> memref<1x128xi32, #tpu.memory_space<vmem>>
    %dma_start3A_12 = tpu.memref_squeeze %dma_start3A_11 : memref<1x128xi32, #tpu.memory_space<vmem>> -> memref<128xi32, #tpu.memory_space<vmem>>
    %dma_start3A_13 = arith.constant 0 : i32
    %dma_start3A_14 = arith.constant 0 : i32
    %dma_start3A_15 = tpu.memref_slice %arg3[%dma_start3A_13, %dma_start3A_14] : memref<1000000x64xf32, #tpu.memory_space<hbm>> -> memref<1000000x64xf32, #tpu.memory_space<hbm>>
    tpu.enqueue_indirect_dma source(%dma_start3A_15 : memref<1000000x64xf32, #tpu.memory_space<hbm>>) target(%dma_start3A_9 : memref<128x64xf32, #tpu.memory_space<vmem>>) offsets(%dma_start3A_12 : memref<128xi32, #tpu.memory_space<vmem>>) semaphore(%arg9 : memref<!tpu.dma_semaphore, #tpu.memory_space<semaphore_mem>>)
    %dma_start3A_16 = arith.constant 1 : i32
    %dma_start3A_17 = arith.constant 128 : i32
    %dma_start3A_18 = arith.constant 0 : i32
    %dma_start3A_19 = tpu.memref_slice %arg7[%dma_start3A_17, %dma_start3A_18] : memref<512x64xf32, #tpu.memory_space<vmem>> -> memref<128x64xf32, #tpu.memory_space<vmem>>
    %dma_start3A_20 = arith.constant 0 : i32
    %dma_start3A_21 = tpu.memref_slice %arg6[%dma_start3A_16, %dma_start3A_20] : memref<4x128xi32, #tpu.memory_space<vmem>> -> memref<1x128xi32, #tpu.memory_space<vmem>>
    %dma_start3A_22 = tpu.memref_squeeze %dma_start3A_21 : memref<1x128xi32, #tpu.memory_space<vmem>> -> memref<128xi32, #tpu.memory_space<vmem>>
    %dma_start3A_23 = arith.constant 0 : i32
    %dma_start3A_24 = arith.constant 0 : i32
    %dma_start3A_25 = tpu.memref_slice %arg3[%dma_start3A_23, %dma_start3A_24] : memref<1000000x64xf32, #tpu.memory_space<hbm>> -> memref<1000000x64xf32, #tpu.memory_space<hbm>>
    tpu.enqueue_indirect_dma source(%dma_start3A_25 : memref<1000000x64xf32, #tpu.memory_space<hbm>>) target(%dma_start3A_19 : memref<128x64xf32, #tpu.memory_space<vmem>>) offsets(%dma_start3A_22 : memref<128xi32, #tpu.memory_space<vmem>>) semaphore(%arg9 : memref<!tpu.dma_semaphore, #tpu.memory_space<semaphore_mem>>)
    %dma_start3A_26 = arith.constant 2 : i32
    %dma_start3A_27 = arith.constant 256 : i32
    %dma_start3A_28 = arith.constant 0 : i32
    %dma_start3A_29 = tpu.memref_slice %arg7[%dma_start3A_27, %dma_start3A_28] : memref<512x64xf32, #tpu.memory_space<vmem>> -> memref<128x64xf32, #tpu.memory_space<vmem>>
    %dma_start3A_30 = arith.constant 0 : i32
    %dma_start3A_31 = tpu.memref_slice %arg6[%dma_start3A_26, %dma_start3A_30] : memref<4x128xi32, #tpu.memory_space<vmem>> -> memref<1x128xi32, #tpu.memory_space<vmem>>
    %dma_start3A_32 = tpu.memref_squeeze %dma_start3A_31 : memref<1x128xi32, #tpu.memory_space<vmem>> -> memref<128xi32, #tpu.memory_space<vmem>>
    %dma_start3A_33 = arith.constant 0 : i32
    %dma_start3A_34 = arith.constant 0 : i32
    %dma_start3A_35 = tpu.memref_slice %arg3[%dma_start3A_33, %dma_start3A_34] : memref<1000000x64xf32, #tpu.memory_space<hbm>> -> memref<1000000x64xf32, #tpu.memory_space<hbm>>
    tpu.enqueue_indirect_dma source(%dma_start3A_35 : memref<1000000x64xf32, #tpu.memory_space<hbm>>) target(%dma_start3A_29 : memref<128x64xf32, #tpu.memory_space<vmem>>) offsets(%dma_start3A_32 : memref<128xi32, #tpu.memory_space<vmem>>) semaphore(%arg9 : memref<!tpu.dma_semaphore, #tpu.memory_space<semaphore_mem>>)
    %dma_start3A_36 = arith.constant 3 : i32
    %dma_start3A_37 = arith.constant 384 : i32
    %dma_start3A_38 = arith.constant 0 : i32
    %dma_start3A_39 = tpu.memref_slice %arg7[%dma_start3A_37, %dma_start3A_38] : memref<512x64xf32, #tpu.memory_space<vmem>> -> memref<128x64xf32, #tpu.memory_space<vmem>>
    %dma_start3A_40 = arith.constant 0 : i32
    %dma_start3A_41 = tpu.memref_slice %arg6[%dma_start3A_36, %dma_start3A_40] : memref<4x128xi32, #tpu.memory_space<vmem>> -> memref<1x128xi32, #tpu.memory_space<vmem>>
    %dma_start3A_42 = tpu.memref_squeeze %dma_start3A_41 : memref<1x128xi32, #tpu.memory_space<vmem>> -> memref<128xi32, #tpu.memory_space<vmem>>
    %dma_start3A_43 = arith.constant 0 : i32
    %dma_start3A_44 = arith.constant 0 : i32
    %dma_start3A_45 = tpu.memref_slice %arg3[%dma_start3A_43, %dma_start3A_44] : memref<1000000x64xf32, #tpu.memory_space<hbm>> -> memref<1000000x64xf32, #tpu.memory_space<hbm>>
    tpu.enqueue_indirect_dma source(%dma_start3A_45 : memref<1000000x64xf32, #tpu.memory_space<hbm>>) target(%dma_start3A_39 : memref<128x64xf32, #tpu.memory_space<vmem>>) offsets(%dma_start3A_42 : memref<128xi32, #tpu.memory_space<vmem>>) semaphore(%arg9 : memref<!tpu.dma_semaphore, #tpu.memory_space<semaphore_mem>>)
    "tpu.region"() ({
      %run_scoped3A = tpu.sem_alloc : memref<!tpu.dma_semaphore, #tpu.memory_space<semaphore_mem>>
      %dma_start3A_90 = arith.constant 0 : i32
      %dma_start3A_91 = tpu.memref_slice %arg4[%mul3A_4, %dma_start3A_90] : memref<4096x64xf32, #tpu.memory_space<hbm>> -> memref<128x64xf32, #tpu.memory_space<hbm>>
      %dma_start3A_92 = arith.constant 0 : i32
      %dma_start3A_93 = tpu.memref_slice %arg4[%mul3A_4, %dma_start3A_92] : memref<4096x64xf32, #tpu.memory_space<hbm>> -> memref<128x64xf32, #tpu.memory_space<hbm>>
      tpu.enqueue_dma source(%dma_start3A_93 : memref<128x64xf32, #tpu.memory_space<hbm>>) target(%arg8 : memref<128x64xf32, #tpu.memory_space<vmem>>) target_semaphore(%run_scoped3A : memref<!tpu.dma_semaphore, #tpu.memory_space<semaphore_mem>>)
      %dma_wait3A_94 = arith.constant 0 : i32
      %dma_wait3A_95 = tpu.memref_slice %arg4[%mul3A_4, %dma_wait3A_94] : memref<4096x64xf32, #tpu.memory_space<hbm>> -> memref<128x64xf32, #tpu.memory_space<hbm>>
      %dma_wait3A_96 = arith.constant 0 : i32
      %dma_wait3A_97 = tpu.memref_slice %arg4[%mul3A_4, %dma_wait3A_96] : memref<4096x64xf32, #tpu.memory_space<hbm>> -> memref<128x64xf32, #tpu.memory_space<hbm>>
      tpu.wait_dma2 semaphore(%run_scoped3A : memref<!tpu.dma_semaphore, #tpu.memory_space<semaphore_mem>>) src(%dma_wait3A_97 : memref<128x64xf32, #tpu.memory_space<hbm>>) dst(%arg8 : memref<128x64xf32, #tpu.memory_space<vmem>>)
      tpu.yield
    }) : () -> ()
    %dma_wait3A = arith.constant 0 : i32
    %dma_wait3A_46 = arith.constant 0 : i32
    %dma_wait3A_47 = arith.constant 0 : i32
    %dma_wait3A_48 = tpu.memref_slice %arg7[%dma_wait3A_46, %dma_wait3A_47] : memref<512x64xf32, #tpu.memory_space<vmem>> -> memref<128x64xf32, #tpu.memory_space<vmem>>
    %dma_wait3A_49 = arith.constant 0 : i32
    %dma_wait3A_50 = tpu.memref_slice %arg6[%dma_wait3A, %dma_wait3A_49] : memref<4x128xi32, #tpu.memory_space<vmem>> -> memref<1x128xi32, #tpu.memory_space<vmem>>
    %dma_wait3A_51 = tpu.memref_squeeze %dma_wait3A_50 : memref<1x128xi32, #tpu.memory_space<vmem>> -> memref<128xi32, #tpu.memory_space<vmem>>
    %dma_wait3A_52 = arith.constant 0 : i32
    %dma_wait3A_53 = arith.constant 0 : i32
    %dma_wait3A_54 = tpu.memref_slice %arg3[%dma_wait3A_52, %dma_wait3A_53] : memref<1000000x64xf32, #tpu.memory_space<hbm>> -> memref<1000000x64xf32, #tpu.memory_space<hbm>>
    tpu.wait_indirect_dma semaphore(%arg9 : memref<!tpu.dma_semaphore, #tpu.memory_space<semaphore_mem>>) src(%dma_wait3A_54 : memref<1000000x64xf32, #tpu.memory_space<hbm>>) dst(%dma_wait3A_48 : memref<128x64xf32, #tpu.memory_space<vmem>>)
    %dma_wait3A_55 = arith.constant 1 : i32
    %dma_wait3A_56 = arith.constant 128 : i32
    %dma_wait3A_57 = arith.constant 0 : i32
    %dma_wait3A_58 = tpu.memref_slice %arg7[%dma_wait3A_56, %dma_wait3A_57] : memref<512x64xf32, #tpu.memory_space<vmem>> -> memref<128x64xf32, #tpu.memory_space<vmem>>
    %dma_wait3A_59 = arith.constant 0 : i32
    %dma_wait3A_60 = tpu.memref_slice %arg6[%dma_wait3A_55, %dma_wait3A_59] : memref<4x128xi32, #tpu.memory_space<vmem>> -> memref<1x128xi32, #tpu.memory_space<vmem>>
    %dma_wait3A_61 = tpu.memref_squeeze %dma_wait3A_60 : memref<1x128xi32, #tpu.memory_space<vmem>> -> memref<128xi32, #tpu.memory_space<vmem>>
    %dma_wait3A_62 = arith.constant 0 : i32
    %dma_wait3A_63 = arith.constant 0 : i32
    %dma_wait3A_64 = tpu.memref_slice %arg3[%dma_wait3A_62, %dma_wait3A_63] : memref<1000000x64xf32, #tpu.memory_space<hbm>> -> memref<1000000x64xf32, #tpu.memory_space<hbm>>
    tpu.wait_indirect_dma semaphore(%arg9 : memref<!tpu.dma_semaphore, #tpu.memory_space<semaphore_mem>>) src(%dma_wait3A_64 : memref<1000000x64xf32, #tpu.memory_space<hbm>>) dst(%dma_wait3A_58 : memref<128x64xf32, #tpu.memory_space<vmem>>)
    %dma_wait3A_65 = arith.constant 2 : i32
    %dma_wait3A_66 = arith.constant 256 : i32
    %dma_wait3A_67 = arith.constant 0 : i32
    %dma_wait3A_68 = tpu.memref_slice %arg7[%dma_wait3A_66, %dma_wait3A_67] : memref<512x64xf32, #tpu.memory_space<vmem>> -> memref<128x64xf32, #tpu.memory_space<vmem>>
    %dma_wait3A_69 = arith.constant 0 : i32
    %dma_wait3A_70 = tpu.memref_slice %arg6[%dma_wait3A_65, %dma_wait3A_69] : memref<4x128xi32, #tpu.memory_space<vmem>> -> memref<1x128xi32, #tpu.memory_space<vmem>>
    %dma_wait3A_71 = tpu.memref_squeeze %dma_wait3A_70 : memref<1x128xi32, #tpu.memory_space<vmem>> -> memref<128xi32, #tpu.memory_space<vmem>>
    %dma_wait3A_72 = arith.constant 0 : i32
    %dma_wait3A_73 = arith.constant 0 : i32
    %dma_wait3A_74 = tpu.memref_slice %arg3[%dma_wait3A_72, %dma_wait3A_73] : memref<1000000x64xf32, #tpu.memory_space<hbm>> -> memref<1000000x64xf32, #tpu.memory_space<hbm>>
    tpu.wait_indirect_dma semaphore(%arg9 : memref<!tpu.dma_semaphore, #tpu.memory_space<semaphore_mem>>) src(%dma_wait3A_74 : memref<1000000x64xf32, #tpu.memory_space<hbm>>) dst(%dma_wait3A_68 : memref<128x64xf32, #tpu.memory_space<vmem>>)
    %dma_wait3A_75 = arith.constant 3 : i32
    %dma_wait3A_76 = arith.constant 384 : i32
    %dma_wait3A_77 = arith.constant 0 : i32
    %dma_wait3A_78 = tpu.memref_slice %arg7[%dma_wait3A_76, %dma_wait3A_77] : memref<512x64xf32, #tpu.memory_space<vmem>> -> memref<128x64xf32, #tpu.memory_space<vmem>>
    %dma_wait3A_79 = arith.constant 0 : i32
    %dma_wait3A_80 = tpu.memref_slice %arg6[%dma_wait3A_75, %dma_wait3A_79] : memref<4x128xi32, #tpu.memory_space<vmem>> -> memref<1x128xi32, #tpu.memory_space<vmem>>
    %dma_wait3A_81 = tpu.memref_squeeze %dma_wait3A_80 : memref<1x128xi32, #tpu.memory_space<vmem>> -> memref<128xi32, #tpu.memory_space<vmem>>
    %dma_wait3A_82 = arith.constant 0 : i32
    %dma_wait3A_83 = arith.constant 0 : i32
    %dma_wait3A_84 = tpu.memref_slice %arg3[%dma_wait3A_82, %dma_wait3A_83] : memref<1000000x64xf32, #tpu.memory_space<hbm>> -> memref<1000000x64xf32, #tpu.memory_space<hbm>>
    tpu.wait_indirect_dma semaphore(%arg9 : memref<!tpu.dma_semaphore, #tpu.memory_space<semaphore_mem>>) src(%dma_wait3A_84 : memref<1000000x64xf32, #tpu.memory_space<hbm>>) dst(%dma_wait3A_78 : memref<128x64xf32, #tpu.memory_space<vmem>>)
    %scan3A = arith.constant 0 : i32
    %scan3A_85 = arith.constant 0 : i32
    %scan3A_86 = arith.constant 128 : i32
    %scan3A_87 = arith.addi %scan3A_85, %scan3A_86 : i32
    %scan3A_88 = arith.constant 1 : i32
    scf.for %scan3A_90 = %scan3A_85 to %scan3A_87 step %scan3A_88  : i32 {
      %mul3A_91 = arith.constant 4 : i32
      %mul3A_92 = arith.muli %scan3A_90, %mul3A_91 : i32
      %get3A = arith.index_cast %scan3A_90 : i32 to index
      %get3A_93 = arith.constant 0 : index
      %get3A_94 = tpu.vector_load %arg8[%get3A, %get3A_93] {strides = array<i32>} : memref<128x64xf32, #tpu.memory_space<vmem>>, vector<1x16xf32>,
      %get3A_95 = vector.shape_cast %get3A_94 : vector<1x16xf32> to vector<16xf32>
      %add3A_96 = arith.constant 0 : i32
      %add3A_97 = arith.addi %mul3A_92, %add3A_96 : i32
      %get3A_98 = arith.index_cast %add3A_97 : i32 to index
      %get3A_99 = arith.constant 0 : index
      %get3A_100 = tpu.vector_load %arg7[%get3A_98, %get3A_99] {strides = array<i32>} : memref<512x64xf32, #tpu.memory_space<vmem>>, vector<1x16xf32>,
      %get3A_101 = vector.shape_cast %get3A_100 : vector<1x16xf32> to vector<16xf32>
      %mul3A_102 = arith.constant 8.000000e+00 : f32
      %mul3A_103 = vector.broadcast %mul3A_102 : f32 to vector<16xf32>
      %mul3A_104 = arith.mulf %get3A_101, %mul3A_103 : vector<16xf32>
      %add3A_105 = arith.addf %mul3A_104, %get3A_95 : vector<16xf32>
      %add3A_106 = arith.constant 0 : i32
      %add3A_107 = arith.addi %mul3A_92, %add3A_106 : i32
      %swap3A = arith.index_cast %add3A_107 : i32 to index
      %swap3A_108 = arith.constant 0 : index
      %swap3A_109 = tpu.vector_load %arg7[%swap3A, %swap3A_108] {strides = array<i32>} : memref<512x64xf32, #tpu.memory_space<vmem>>, vector<1x16xf32>,
      %swap3A_110 = vector.shape_cast %swap3A_109 : vector<1x16xf32> to vector<16xf32>
      %swap3A_111 = vector.shape_cast %add3A_105 : vector<16xf32> to vector<1x16xf32>
      tpu.vector_store %arg7[%swap3A, %swap3A_108], %swap3A_111 {strides = array<i32>} : memref<512x64xf32, #tpu.memory_space<vmem>>, vector<1x16xf32>,
      %add3A_112 = arith.constant 1 : i32
      %add3A_113 = arith.addi %mul3A_92, %add3A_112 : i32
      %get3A_114 = arith.index_cast %add3A_113 : i32 to index
      %get3A_115 = arith.constant 0 : index
      %get3A_116 = tpu.vector_load %arg7[%get3A_114, %get3A_115] {strides = array<i32>} : memref<512x64xf32, #tpu.memory_space<vmem>>, vector<1x16xf32>,
      %get3A_117 = vector.shape_cast %get3A_116 : vector<1x16xf32> to vector<16xf32>
      %mul3A_118 = arith.constant 8.000000e+00 : f32
      %mul3A_119 = vector.broadcast %mul3A_118 : f32 to vector<16xf32>
      %mul3A_120 = arith.mulf %get3A_117, %mul3A_119 : vector<16xf32>
      %add3A_121 = arith.addf %mul3A_120, %get3A_95 : vector<16xf32>
      %add3A_122 = arith.constant 1 : i32
      %add3A_123 = arith.addi %mul3A_92, %add3A_122 : i32
      %swap3A_124 = arith.index_cast %add3A_123 : i32 to index
      %swap3A_125 = arith.constant 0 : index
      %swap3A_126 = tpu.vector_load %arg7[%swap3A_124, %swap3A_125] {strides = array<i32>} : memref<512x64xf32, #tpu.memory_space<vmem>>, vector<1x16xf32>,
      %swap3A_127 = vector.shape_cast %swap3A_126 : vector<1x16xf32> to vector<16xf32>
      %swap3A_128 = vector.shape_cast %add3A_121 : vector<16xf32> to vector<1x16xf32>
      tpu.vector_store %arg7[%swap3A_124, %swap3A_125], %swap3A_128 {strides = array<i32>} : memref<512x64xf32, #tpu.memory_space<vmem>>, vector<1x16xf32>,
      %add3A_129 = arith.constant 2 : i32
      %add3A_130 = arith.addi %mul3A_92, %add3A_129 : i32
      %get3A_131 = arith.index_cast %add3A_130 : i32 to index
      %get3A_132 = arith.constant 0 : index
      %get3A_133 = tpu.vector_load %arg7[%get3A_131, %get3A_132] {strides = array<i32>} : memref<512x64xf32, #tpu.memory_space<vmem>>, vector<1x16xf32>,
      %get3A_134 = vector.shape_cast %get3A_133 : vector<1x16xf32> to vector<16xf32>
      %mul3A_135 = arith.constant 8.000000e+00 : f32
      %mul3A_136 = vector.broadcast %mul3A_135 : f32 to vector<16xf32>
      %mul3A_137 = arith.mulf %get3A_134, %mul3A_136 : vector<16xf32>
      %add3A_138 = arith.addf %mul3A_137, %get3A_95 : vector<16xf32>
      %add3A_139 = arith.constant 2 : i32
      %add3A_140 = arith.addi %mul3A_92, %add3A_139 : i32
      %swap3A_141 = arith.index_cast %add3A_140 : i32 to index
      %swap3A_142 = arith.constant 0 : index
      %swap3A_143 = tpu.vector_load %arg7[%swap3A_141, %swap3A_142] {strides = array<i32>} : memref<512x64xf32, #tpu.memory_space<vmem>>, vector<1x16xf32>,
      %swap3A_144 = vector.shape_cast %swap3A_143 : vector<1x16xf32> to vector<16xf32>
      %swap3A_145 = vector.shape_cast %add3A_138 : vector<16xf32> to vector<1x16xf32>
      tpu.vector_store %arg7[%swap3A_141, %swap3A_142], %swap3A_145 {strides = array<i32>} : memref<512x64xf32, #tpu.memory_space<vmem>>, vector<1x16xf32>,
      %add3A_146 = arith.constant 3 : i32
      %add3A_147 = arith.addi %mul3A_92, %add3A_146 : i32
      %get3A_148 = arith.index_cast %add3A_147 : i32 to index
      %get3A_149 = arith.constant 0 : index
      %get3A_150 = tpu.vector_load %arg7[%get3A_148, %get3A_149] {strides = array<i32>} : memref<512x64xf32, #tpu.memory_space<vmem>>, vector<1x16xf32>,
      %get3A_151 = vector.shape_cast %get3A_150 : vector<1x16xf32> to vector<16xf32>
      %mul3A_152 = arith.constant 8.000000e+00 : f32
      %mul3A_153 = vector.broadcast %mul3A_152 : f32 to vector<16xf32>
      %mul3A_154 = arith.mulf %get3A_151, %mul3A_153 : vector<16xf32>
      %add3A_155 = arith.addf %mul3A_154, %get3A_95 : vector<16xf32>
      %add3A_156 = arith.constant 3 : i32
      %add3A_157 = arith.addi %mul3A_92, %add3A_156 : i32
      %swap3A_158 = arith.index_cast %add3A_157 : i32 to index
      %swap3A_159 = arith.constant 0 : index
      %swap3A_160 = tpu.vector_load %arg7[%swap3A_158, %swap3A_159] {strides = array<i32>} : memref<512x64xf32, #tpu.memory_space<vmem>>, vector<1x16xf32>,
      %swap3A_161 = vector.shape_cast %swap3A_160 : vector<1x16xf32> to vector<16xf32>
      %swap3A_162 = vector.shape_cast %add3A_155 : vector<16xf32> to vector<1x16xf32>
      tpu.vector_store %arg7[%swap3A_158, %swap3A_159], %swap3A_162 {strides = array<i32>} : memref<512x64xf32, #tpu.memory_space<vmem>>, vector<1x16xf32>,
      %get3A_163 = arith.index_cast %scan3A_90 : i32 to index
      %get3A_164 = arith.constant 16 : index
      %get3A_165 = tpu.vector_load %arg8[%get3A_163, %get3A_164] {strides = array<i32>} : memref<128x64xf32, #tpu.memory_space<vmem>>, vector<1x16xf32>,
      %get3A_166 = vector.shape_cast %get3A_165 : vector<1x16xf32> to vector<16xf32>
      %add3A_167 = arith.constant 0 : i32
      %add3A_168 = arith.addi %mul3A_92, %add3A_167 : i32
      %get3A_169 = arith.index_cast %add3A_168 : i32 to index
      %get3A_170 = arith.constant 16 : index
      %get3A_171 = tpu.vector_load %arg7[%get3A_169, %get3A_170] {strides = array<i32>} : memref<512x64xf32, #tpu.memory_space<vmem>>, vector<1x16xf32>,
      %get3A_172 = vector.shape_cast %get3A_171 : vector<1x16xf32> to vector<16xf32>
      %mul3A_173 = arith.constant 8.000000e+00 : f32
      %mul3A_174 = vector.broadcast %mul3A_173 : f32 to vector<16xf32>
      %mul3A_175 = arith.mulf %get3A_172, %mul3A_174 : vector<16xf32>
      %add3A_176 = arith.addf %mul3A_175, %get3A_166 : vector<16xf32>
      %add3A_177 = arith.constant 0 : i32
      %add3A_178 = arith.addi %mul3A_92, %add3A_177 : i32
      %swap3A_179 = arith.index_cast %add3A_178 : i32 to index
      %swap3A_180 = arith.constant 16 : index
      %swap3A_181 = tpu.vector_load %arg7[%swap3A_179, %swap3A_180] {strides = array<i32>} : memref<512x64xf32, #tpu.memory_space<vmem>>, vector<1x16xf32>,
      %swap3A_182 = vector.shape_cast %swap3A_181 : vector<1x16xf32> to vector<16xf32>
      %swap3A_183 = vector.shape_cast %add3A_176 : vector<16xf32> to vector<1x16xf32>
      tpu.vector_store %arg7[%swap3A_179, %swap3A_180], %swap3A_183 {strides = array<i32>} : memref<512x64xf32, #tpu.memory_space<vmem>>, vector<1x16xf32>,
      %add3A_184 = arith.constant 1 : i32
      %add3A_185 = arith.addi %mul3A_92, %add3A_184 : i32
      %get3A_186 = arith.index_cast %add3A_185 : i32 to index
      %get3A_187 = arith.constant 16 : index
      %get3A_188 = tpu.vector_load %arg7[%get3A_186, %get3A_187] {strides = array<i32>} : memref<512x64xf32, #tpu.memory_space<vmem>>, vector<1x16xf32>,
      %get3A_189 = vector.shape_cast %get3A_188 : vector<1x16xf32> to vector<16xf32>
      %mul3A_190 = arith.constant 8.000000e+00 : f32
      %mul3A_191 = vector.broadcast %mul3A_190 : f32 to vector<16xf32>
      %mul3A_192 = arith.mulf %get3A_189, %mul3A_191 : vector<16xf32>
      %add3A_193 = arith.addf %mul3A_192, %get3A_166 : vector<16xf32>
      %add3A_194 = arith.constant 1 : i32
      %add3A_195 = arith.addi %mul3A_92, %add3A_194 : i32
      %swap3A_196 = arith.index_cast %add3A_195 : i32 to index
      %swap3A_197 = arith.constant 16 : index
      %swap3A_198 = tpu.vector_load %arg7[%swap3A_196, %swap3A_197] {strides = array<i32>} : memref<512x64xf32, #tpu.memory_space<vmem>>, vector<1x16xf32>,
      %swap3A_199 = vector.shape_cast %swap3A_198 : vector<1x16xf32> to vector<16xf32>
      %swap3A_200 = vector.shape_cast %add3A_193 : vector<16xf32> to vector<1x16xf32>
      tpu.vector_store %arg7[%swap3A_196, %swap3A_197], %swap3A_200 {strides = array<i32>} : memref<512x64xf32, #tpu.memory_space<vmem>>, vector<1x16xf32>,
      %add3A_201 = arith.constant 2 : i32
      %add3A_202 = arith.addi %mul3A_92, %add3A_201 : i32
      %get3A_203 = arith.index_cast %add3A_202 : i32 to index
      %get3A_204 = arith.constant 16 : index
      %get3A_205 = tpu.vector_load %arg7[%get3A_203, %get3A_204] {strides = array<i32>} : memref<512x64xf32, #tpu.memory_space<vmem>>, vector<1x16xf32>,
      %get3A_206 = vector.shape_cast %get3A_205 : vector<1x16xf32> to vector<16xf32>
      %mul3A_207 = arith.constant 8.000000e+00 : f32
      %mul3A_208 = vector.broadcast %mul3A_207 : f32 to vector<16xf32>
      %mul3A_209 = arith.mulf %get3A_206, %mul3A_208 : vector<16xf32>
      %add3A_210 = arith.addf %mul3A_209, %get3A_166 : vector<16xf32>
      %add3A_211 = arith.constant 2 : i32
      %add3A_212 = arith.addi %mul3A_92, %add3A_211 : i32
      %swap3A_213 = arith.index_cast %add3A_212 : i32 to index
      %swap3A_214 = arith.constant 16 : index
      %swap3A_215 = tpu.vector_load %arg7[%swap3A_213, %swap3A_214] {strides = array<i32>} : memref<512x64xf32, #tpu.memory_space<vmem>>, vector<1x16xf32>,
      %swap3A_216 = vector.shape_cast %swap3A_215 : vector<1x16xf32> to vector<16xf32>
      %swap3A_217 = vector.shape_cast %add3A_210 : vector<16xf32> to vector<1x16xf32>
      tpu.vector_store %arg7[%swap3A_213, %swap3A_214], %swap3A_217 {strides = array<i32>} : memref<512x64xf32, #tpu.memory_space<vmem>>, vector<1x16xf32>,
      %add3A_218 = arith.constant 3 : i32
      %add3A_219 = arith.addi %mul3A_92, %add3A_218 : i32
      %get3A_220 = arith.index_cast %add3A_219 : i32 to index
      %get3A_221 = arith.constant 16 : index
      %get3A_222 = tpu.vector_load %arg7[%get3A_220, %get3A_221] {strides = array<i32>} : memref<512x64xf32, #tpu.memory_space<vmem>>, vector<1x16xf32>,
      %get3A_223 = vector.shape_cast %get3A_222 : vector<1x16xf32> to vector<16xf32>
      %mul3A_224 = arith.constant 8.000000e+00 : f32
      %mul3A_225 = vector.broadcast %mul3A_224 : f32 to vector<16xf32>
      %mul3A_226 = arith.mulf %get3A_223, %mul3A_225 : vector<16xf32>
      %add3A_227 = arith.addf %mul3A_226, %get3A_166 : vector<16xf32>
      %add3A_228 = arith.constant 3 : i32
      %add3A_229 = arith.addi %mul3A_92, %add3A_228 : i32
      %swap3A_230 = arith.index_cast %add3A_229 : i32 to index
      %swap3A_231 = arith.constant 16 : index
      %swap3A_232 = tpu.vector_load %arg7[%swap3A_230, %swap3A_231] {strides = array<i32>} : memref<512x64xf32, #tpu.memory_space<vmem>>, vector<1x16xf32>,
      %swap3A_233 = vector.shape_cast %swap3A_232 : vector<1x16xf32> to vector<16xf32>
      %swap3A_234 = vector.shape_cast %add3A_227 : vector<16xf32> to vector<1x16xf32>
      tpu.vector_store %arg7[%swap3A_230, %swap3A_231], %swap3A_234 {strides = array<i32>} : memref<512x64xf32, #tpu.memory_space<vmem>>, vector<1x16xf32>,
      %get3A_235 = arith.index_cast %scan3A_90 : i32 to index
      %get3A_236 = arith.constant 32 : index
      %get3A_237 = tpu.vector_load %arg8[%get3A_235, %get3A_236] {strides = array<i32>} : memref<128x64xf32, #tpu.memory_space<vmem>>, vector<1x16xf32>,
      %get3A_238 = vector.shape_cast %get3A_237 : vector<1x16xf32> to vector<16xf32>
      %add3A_239 = arith.constant 0 : i32
      %add3A_240 = arith.addi %mul3A_92, %add3A_239 : i32
      %get3A_241 = arith.index_cast %add3A_240 : i32 to index
      %get3A_242 = arith.constant 32 : index
      %get3A_243 = tpu.vector_load %arg7[%get3A_241, %get3A_242] {strides = array<i32>} : memref<512x64xf32, #tpu.memory_space<vmem>>, vector<1x16xf32>,
      %get3A_244 = vector.shape_cast %get3A_243 : vector<1x16xf32> to vector<16xf32>
      %mul3A_245 = arith.constant 8.000000e+00 : f32
      %mul3A_246 = vector.broadcast %mul3A_245 : f32 to vector<16xf32>
      %mul3A_247 = arith.mulf %get3A_244, %mul3A_246 : vector<16xf32>
      %add3A_248 = arith.addf %mul3A_247, %get3A_238 : vector<16xf32>
      %add3A_249 = arith.constant 0 : i32
      %add3A_250 = arith.addi %mul3A_92, %add3A_249 : i32
      %swap3A_251 = arith.index_cast %add3A_250 : i32 to index
      %swap3A_252 = arith.constant 32 : index
      %swap3A_253 = tpu.vector_load %arg7[%swap3A_251, %swap3A_252] {strides = array<i32>} : memref<512x64xf32, #tpu.memory_space<vmem>>, vector<1x16xf32>,
      %swap3A_254 = vector.shape_cast %swap3A_253 : vector<1x16xf32> to vector<16xf32>
      %swap3A_255 = vector.shape_cast %add3A_248 : vector<16xf32> to vector<1x16xf32>
      tpu.vector_store %arg7[%swap3A_251, %swap3A_252], %swap3A_255 {strides = array<i32>} : memref<512x64xf32, #tpu.memory_space<vmem>>, vector<1x16xf32>,
      %add3A_256 = arith.constant 1 : i32
      %add3A_257 = arith.addi %mul3A_92, %add3A_256 : i32
      %get3A_258 = arith.index_cast %add3A_257 : i32 to index
      %get3A_259 = arith.constant 32 : index
      %get3A_260 = tpu.vector_load %arg7[%get3A_258, %get3A_259] {strides = array<i32>} : memref<512x64xf32, #tpu.memory_space<vmem>>, vector<1x16xf32>,
      %get3A_261 = vector.shape_cast %get3A_260 : vector<1x16xf32> to vector<16xf32>
      %mul3A_262 = arith.constant 8.000000e+00 : f32
      %mul3A_263 = vector.broadcast %mul3A_262 : f32 to vector<16xf32>
      %mul3A_264 = arith.mulf %get3A_261, %mul3A_263 : vector<16xf32>
      %add3A_265 = arith.addf %mul3A_264, %get3A_238 : vector<16xf32>
      %add3A_266 = arith.constant 1 : i32
      %add3A_267 = arith.addi %mul3A_92, %add3A_266 : i32
      %swap3A_268 = arith.index_cast %add3A_267 : i32 to index
      %swap3A_269 = arith.constant 32 : index
      %swap3A_270 = tpu.vector_load %arg7[%swap3A_268, %swap3A_269] {strides = array<i32>} : memref<512x64xf32, #tpu.memory_space<vmem>>, vector<1x16xf32>,
      %swap3A_271 = vector.shape_cast %swap3A_270 : vector<1x16xf32> to vector<16xf32>
      %swap3A_272 = vector.shape_cast %add3A_265 : vector<16xf32> to vector<1x16xf32>
      tpu.vector_store %arg7[%swap3A_268, %swap3A_269], %swap3A_272 {strides = array<i32>} : memref<512x64xf32, #tpu.memory_space<vmem>>, vector<1x16xf32>,
      %add3A_273 = arith.constant 2 : i32
      %add3A_274 = arith.addi %mul3A_92, %add3A_273 : i32
      %get3A_275 = arith.index_cast %add3A_274 : i32 to index
      %get3A_276 = arith.constant 32 : index
      %get3A_277 = tpu.vector_load %arg7[%get3A_275, %get3A_276] {strides = array<i32>} : memref<512x64xf32, #tpu.memory_space<vmem>>, vector<1x16xf32>,
      %get3A_278 = vector.shape_cast %get3A_277 : vector<1x16xf32> to vector<16xf32>
      %mul3A_279 = arith.constant 8.000000e+00 : f32
      %mul3A_280 = vector.broadcast %mul3A_279 : f32 to vector<16xf32>
      %mul3A_281 = arith.mulf %get3A_278, %mul3A_280 : vector<16xf32>
      %add3A_282 = arith.addf %mul3A_281, %get3A_238 : vector<16xf32>
      %add3A_283 = arith.constant 2 : i32
      %add3A_284 = arith.addi %mul3A_92, %add3A_283 : i32
      %swap3A_285 = arith.index_cast %add3A_284 : i32 to index
      %swap3A_286 = arith.constant 32 : index
      %swap3A_287 = tpu.vector_load %arg7[%swap3A_285, %swap3A_286] {strides = array<i32>} : memref<512x64xf32, #tpu.memory_space<vmem>>, vector<1x16xf32>,
      %swap3A_288 = vector.shape_cast %swap3A_287 : vector<1x16xf32> to vector<16xf32>
      %swap3A_289 = vector.shape_cast %add3A_282 : vector<16xf32> to vector<1x16xf32>
      tpu.vector_store %arg7[%swap3A_285, %swap3A_286], %swap3A_289 {strides = array<i32>} : memref<512x64xf32, #tpu.memory_space<vmem>>, vector<1x16xf32>,
      %add3A_290 = arith.constant 3 : i32
      %add3A_291 = arith.addi %mul3A_92, %add3A_290 : i32
      %get3A_292 = arith.index_cast %add3A_291 : i32 to index
      %get3A_293 = arith.constant 32 : index
      %get3A_294 = tpu.vector_load %arg7[%get3A_292, %get3A_293] {strides = array<i32>} : memref<512x64xf32, #tpu.memory_space<vmem>>, vector<1x16xf32>,
      %get3A_295 = vector.shape_cast %get3A_294 : vector<1x16xf32> to vector<16xf32>
      %mul3A_296 = arith.constant 8.000000e+00 : f32
      %mul3A_297 = vector.broadcast %mul3A_296 : f32 to vector<16xf32>
      %mul3A_298 = arith.mulf %get3A_295, %mul3A_297 : vector<16xf32>
      %add3A_299 = arith.addf %mul3A_298, %get3A_238 : vector<16xf32>
      %add3A_300 = arith.constant 3 : i32
      %add3A_301 = arith.addi %mul3A_92, %add3A_300 : i32
      %swap3A_302 = arith.index_cast %add3A_301 : i32 to index
      %swap3A_303 = arith.constant 32 : index
      %swap3A_304 = tpu.vector_load %arg7[%swap3A_302, %swap3A_303] {strides = array<i32>} : memref<512x64xf32, #tpu.memory_space<vmem>>, vector<1x16xf32>,
      %swap3A_305 = vector.shape_cast %swap3A_304 : vector<1x16xf32> to vector<16xf32>
      %swap3A_306 = vector.shape_cast %add3A_299 : vector<16xf32> to vector<1x16xf32>
      tpu.vector_store %arg7[%swap3A_302, %swap3A_303], %swap3A_306 {strides = array<i32>} : memref<512x64xf32, #tpu.memory_space<vmem>>, vector<1x16xf32>,
      %get3A_307 = arith.index_cast %scan3A_90 : i32 to index
      %get3A_308 = arith.constant 48 : index
      %get3A_309 = tpu.vector_load %arg8[%get3A_307, %get3A_308] {strides = array<i32>} : memref<128x64xf32, #tpu.memory_space<vmem>>, vector<1x16xf32>,
      %get3A_310 = vector.shape_cast %get3A_309 : vector<1x16xf32> to vector<16xf32>
      %add3A_311 = arith.constant 0 : i32
      %add3A_312 = arith.addi %mul3A_92, %add3A_311 : i32
      %get3A_313 = arith.index_cast %add3A_312 : i32 to index
      %get3A_314 = arith.constant 48 : index
      %get3A_315 = tpu.vector_load %arg7[%get3A_313, %get3A_314] {strides = array<i32>} : memref<512x64xf32, #tpu.memory_space<vmem>>, vector<1x16xf32>,
      %get3A_316 = vector.shape_cast %get3A_315 : vector<1x16xf32> to vector<16xf32>
      %mul3A_317 = arith.constant 8.000000e+00 : f32
      %mul3A_318 = vector.broadcast %mul3A_317 : f32 to vector<16xf32>
      %mul3A_319 = arith.mulf %get3A_316, %mul3A_318 : vector<16xf32>
      %add3A_320 = arith.addf %mul3A_319, %get3A_310 : vector<16xf32>
      %add3A_321 = arith.constant 0 : i32
      %add3A_322 = arith.addi %mul3A_92, %add3A_321 : i32
      %swap3A_323 = arith.index_cast %add3A_322 : i32 to index
      %swap3A_324 = arith.constant 48 : index
      %swap3A_325 = tpu.vector_load %arg7[%swap3A_323, %swap3A_324] {strides = array<i32>} : memref<512x64xf32, #tpu.memory_space<vmem>>, vector<1x16xf32>,
      %swap3A_326 = vector.shape_cast %swap3A_325 : vector<1x16xf32> to vector<16xf32>
      %swap3A_327 = vector.shape_cast %add3A_320 : vector<16xf32> to vector<1x16xf32>
      tpu.vector_store %arg7[%swap3A_323, %swap3A_324], %swap3A_327 {strides = array<i32>} : memref<512x64xf32, #tpu.memory_space<vmem>>, vector<1x16xf32>,
      %add3A_328 = arith.constant 1 : i32
      %add3A_329 = arith.addi %mul3A_92, %add3A_328 : i32
      %get3A_330 = arith.index_cast %add3A_329 : i32 to index
      %get3A_331 = arith.constant 48 : index
      %get3A_332 = tpu.vector_load %arg7[%get3A_330, %get3A_331] {strides = array<i32>} : memref<512x64xf32, #tpu.memory_space<vmem>>, vector<1x16xf32>,
      %get3A_333 = vector.shape_cast %get3A_332 : vector<1x16xf32> to vector<16xf32>
      %mul3A_334 = arith.constant 8.000000e+00 : f32
      %mul3A_335 = vector.broadcast %mul3A_334 : f32 to vector<16xf32>
      %mul3A_336 = arith.mulf %get3A_333, %mul3A_335 : vector<16xf32>
      %add3A_337 = arith.addf %mul3A_336, %get3A_310 : vector<16xf32>
      %add3A_338 = arith.constant 1 : i32
      %add3A_339 = arith.addi %mul3A_92, %add3A_338 : i32
      %swap3A_340 = arith.index_cast %add3A_339 : i32 to index
      %swap3A_341 = arith.constant 48 : index
      %swap3A_342 = tpu.vector_load %arg7[%swap3A_340, %swap3A_341] {strides = array<i32>} : memref<512x64xf32, #tpu.memory_space<vmem>>, vector<1x16xf32>,
      %swap3A_343 = vector.shape_cast %swap3A_342 : vector<1x16xf32> to vector<16xf32>
      %swap3A_344 = vector.shape_cast %add3A_337 : vector<16xf32> to vector<1x16xf32>
      tpu.vector_store %arg7[%swap3A_340, %swap3A_341], %swap3A_344 {strides = array<i32>} : memref<512x64xf32, #tpu.memory_space<vmem>>, vector<1x16xf32>,
      %add3A_345 = arith.constant 2 : i32
      %add3A_346 = arith.addi %mul3A_92, %add3A_345 : i32
      %get3A_347 = arith.index_cast %add3A_346 : i32 to index
      %get3A_348 = arith.constant 48 : index
      %get3A_349 = tpu.vector_load %arg7[%get3A_347, %get3A_348] {strides = array<i32>} : memref<512x64xf32, #tpu.memory_space<vmem>>, vector<1x16xf32>,
      %get3A_350 = vector.shape_cast %get3A_349 : vector<1x16xf32> to vector<16xf32>
      %mul3A_351 = arith.constant 8.000000e+00 : f32
      %mul3A_352 = vector.broadcast %mul3A_351 : f32 to vector<16xf32>
      %mul3A_353 = arith.mulf %get3A_350, %mul3A_352 : vector<16xf32>
      %add3A_354 = arith.addf %mul3A_353, %get3A_310 : vector<16xf32>
      %add3A_355 = arith.constant 2 : i32
      %add3A_356 = arith.addi %mul3A_92, %add3A_355 : i32
      %swap3A_357 = arith.index_cast %add3A_356 : i32 to index
      %swap3A_358 = arith.constant 48 : index
      %swap3A_359 = tpu.vector_load %arg7[%swap3A_357, %swap3A_358] {strides = array<i32>} : memref<512x64xf32, #tpu.memory_space<vmem>>, vector<1x16xf32>,
      %swap3A_360 = vector.shape_cast %swap3A_359 : vector<1x16xf32> to vector<16xf32>
      %swap3A_361 = vector.shape_cast %add3A_354 : vector<16xf32> to vector<1x16xf32>
      tpu.vector_store %arg7[%swap3A_357, %swap3A_358], %swap3A_361 {strides = array<i32>} : memref<512x64xf32, #tpu.memory_space<vmem>>, vector<1x16xf32>,
      %add3A_362 = arith.constant 3 : i32
      %add3A_363 = arith.addi %mul3A_92, %add3A_362 : i32
      %get3A_364 = arith.index_cast %add3A_363 : i32 to index
      %get3A_365 = arith.constant 48 : index
      %get3A_366 = tpu.vector_load %arg7[%get3A_364, %get3A_365] {strides = array<i32>} : memref<512x64xf32, #tpu.memory_space<vmem>>, vector<1x16xf32>,
      %get3A_367 = vector.shape_cast %get3A_366 : vector<1x16xf32> to vector<16xf32>
      %mul3A_368 = arith.constant 8.000000e+00 : f32
      %mul3A_369 = vector.broadcast %mul3A_368 : f32 to vector<16xf32>
      %mul3A_370 = arith.mulf %get3A_367, %mul3A_369 : vector<16xf32>
      %add3A_371 = arith.addf %mul3A_370, %get3A_310 : vector<16xf32>
      %add3A_372 = arith.constant 3 : i32
      %add3A_373 = arith.addi %mul3A_92, %add3A_372 : i32
      %swap3A_374 = arith.index_cast %add3A_373 : i32 to index
      %swap3A_375 = arith.constant 48 : index
      %swap3A_376 = tpu.vector_load %arg7[%swap3A_374, %swap3A_375] {strides = array<i32>} : memref<512x64xf32, #tpu.memory_space<vmem>>, vector<1x16xf32>,
      %swap3A_377 = vector.shape_cast %swap3A_376 : vector<1x16xf32> to vector<16xf32>
      %swap3A_378 = vector.shape_cast %add3A_371 : vector<16xf32> to vector<1x16xf32>
      tpu.vector_store %arg7[%swap3A_374, %swap3A_375], %swap3A_378 {strides = array<i32>} : memref<512x64xf32, #tpu.memory_space<vmem>>, vector<1x16xf32>,
    }
    %scan3A_89 = arith.constant 128 : i32
    "tpu.region"() ({
      %run_scoped3A = tpu.sem_alloc : memref<!tpu.dma_semaphore, #tpu.memory_space<semaphore_mem>>
      %dma_start3A_90 = arith.constant 0 : i32
      %dma_start3A_91 = tpu.memref_slice %arg5[%mul3A_2, %dma_start3A_90] : memref<16384x64xf32, #tpu.memory_space<hbm>> -> memref<512x64xf32, #tpu.memory_space<hbm>>
      %dma_start3A_92 = arith.constant 0 : i32
      %dma_start3A_93 = tpu.memref_slice %arg5[%mul3A_2, %dma_start3A_92] : memref<16384x64xf32, #tpu.memory_space<hbm>> -> memref<512x64xf32, #tpu.memory_space<hbm>>
      tpu.enqueue_dma source(%arg7 : memref<512x64xf32, #tpu.memory_space<vmem>>) target(%dma_start3A_93 : memref<512x64xf32, #tpu.memory_space<hbm>>) target_semaphore(%run_scoped3A : memref<!tpu.dma_semaphore, #tpu.memory_space<semaphore_mem>>)
      %dma_wait3A_94 = arith.constant 0 : i32
      %dma_wait3A_95 = tpu.memref_slice %arg5[%mul3A_2, %dma_wait3A_94] : memref<16384x64xf32, #tpu.memory_space<hbm>> -> memref<512x64xf32, #tpu.memory_space<hbm>>
      %dma_wait3A_96 = arith.constant 0 : i32
      %dma_wait3A_97 = tpu.memref_slice %arg5[%mul3A_2, %dma_wait3A_96] : memref<16384x64xf32, #tpu.memory_space<hbm>> -> memref<512x64xf32, #tpu.memory_space<hbm>>
      tpu.wait_dma2 semaphore(%run_scoped3A : memref<!tpu.dma_semaphore, #tpu.memory_space<semaphore_mem>>) src(%arg7 : memref<512x64xf32, #tpu.memory_space<vmem>>) dst(%dma_wait3A_97 : memref<512x64xf32, #tpu.memory_space<hbm>>)
      tpu.yield
    }) : () -> ()
    return
  }
}

</mosaic_0001>

<sc_bundles>
// kernel: kernel.3.cloned.1.call-start
scs
__scs_entry_jumppad:
0x0: {  	(pc) =	sbr.rel $0x88, $3  }
0x1: {  	(tag) =	ssettag $0x0;
	lr =	simm.s32 $0x1  }
0x2: {  	[smem:$0x3F9E] =	sst lr;
	_ =	strace $0xD0000000  }
0x3: {  	_ = 	snop  }
0x4: {  	_ = 	snop  }
0x5: {  	_ = 	snop  }
0x6: {  	_ = 	snop  }
0x7: {  	_ = 	snop  }
__scs_overlays_trampoline_lowered:
0x8: {  	[smem:$0x3FAD] =	sst s0  }
0x9: {  	[smem:$0x3FAE] =	sst s1  }
0xa: {  	[smem:$0x3FAF] =	sst s2  }
0xb: {  	[smem:$0x3FB0] =	sst s3  }
0xc: {  	[smem:$0x3FB1] =	sst s4  }
0xd: {  	[smem:$0x3FB2] =	sst s5  }
0xe: {  	[smem:$0x3FB3] =	sst s6  }
0xf: {  	[smem:$0x3FB4] =	sst s7  }
0x10: {  	[smem:$0x3FB5] =	sst s8  }
0x11: {  	[smem:$0x3FB6] =	sst s9;
	s0 =	simm.s32 @!p0 $0x0  }
0x12: {  	s1 =	sld [smem:$0x3F9C];
	s0 =	simm.s32 @p0 $0x1  }
0x13: {  	[smem:$0x3FB7] =	sst s0;
	s0 =	simm.s32 @!p1 $0x0  }
0x14: {  	s2 =	sld [smem:$0x3F9B];
	s0 =	simm.s32 @p1 $0x1  }
0x15: {  	[smem:$0x3FB8] =	sst s0;
	s0 =	simm.s32 @!p2 $0x0  }
0x16: {  	s3 =	sld [smem:$0x3FDB];
	s0 =	simm.s32 @p2 $0x1  }
0x17: {  	s4 =	simm.s32 $0x1BF5;
	[smem:$0x3FBA] =	sst s0  }
0x18: {  	s0 =	sld [smem:$0x3F9D];
	_ =	swait.ge [sflag:s4], $0x0  }
0x19: {  	s7 =	sld [smem:$0x3F9E]  }
0x1a: {  	s8 =	sadd.s32 $0xFFFFE003, lr  }
0x1b: {  	s9 =	sadd.s32 $0xFFFFFEF7, lr;
	s5 =	simm.s32 $0xFFFFFFFF;
	p2 =	slt.u32 s8, $0xFFFFF086  }
0x1c: {  	p1 =	slt.u32 s9, $0xF7A;
	s5 =	simm.s32 @!p2 $0x0  }
0x1d: {  	s5 =	simm.s32 @p1 $0x1;
	p0 =	seq.s32 s7, s2  }
0x1e: {  	s7 =	smul.u32 @!p0 $0xF7A, s2;
	p2 =	seq.s32 @!p0 s5, $0x0  }
0x1f: {  	s9 =	smul.u32 $0xF7A, s1;
	s8 =	simm.s32 @!p0 $0x1BF5;
	p2 =	por !p2, p0  }
0x20: {  	[sflag:s8] =	ssyncset.s32 @!p0 $0xFFFFF086;
	s6 =	sadd.s32 @!p0 s3, s7;
	s7 =	simm.s32 @!p0 $0x108  }
0x21: {  	s3 =	sadd.s32 s3, s9;
	s6 =	sadd.s32 @!p0 $0x88, s6;
	s7 =	simm.s32 @p2 $0x1082  }
0x22: {  	[simem:s7], [sflag:s8] =	dma.local @!p0 [hbm:s6], $0xF7A  }
0x23: {  	s9 =	sor.u32 $0xD0000000, s2;
	s6 =	simm.s32 $0x108;
	_ =	swait.ge @!p0 [sflag:s8], $0x0  }
0x24: {  	s3 =	sadd.s32 $0x88, s3;
	s6 =	simm.s32 @!p1 $0x1082;
	[sflag:s4] =	ssyncset.s32 $0xFFFFF086  }
0x25: {  	[simem:s6], [sflag:s4] =	dma.local [hbm:s3], $0xF7A  }
0x26: {  	[smem:$0x3F9E] =	sst s1;
	(tag) =	ssettag s2;
	_ =	strace s9  }
0x27: {  	s1 =	sld [smem:$0x3FAE]  }
0x28: {  	s2 =	sld [smem:$0x3FAF]  }
0x29: {  	s4 =	sld [smem:$0x3FB1]  }
0x2a: {  	p0 =	seq.s32 s5, $0x0;
	s5 =	sld [smem:$0x3FB2]  }
0x2b: {  	s6 =	sld [smem:$0x3FB3]  }
0x2c: {  	s7 =	sld [smem:$0x3FB4]  }
0x2d: {  	s3 =	simm.s32 $0x108;
	s8 =	sld [smem:$0x3FB5]  }
0x2e: {  	s3 =	simm.s32 @!p0 $0x1082;
	s9 =	sld [smem:$0x3FB6]  }
0x2f: {  	lr =	sadd.s32 s0, s3;
	s0 =	sld [smem:$0x3FAD]  }
0x30: {  	s3 =	sld [smem:$0x3FB0]  }
0x31: {  	[smem:$0x3FB9] =	sst s10  }
0x32: {  	s10 =	sld [smem:$0x3FB7];
	_ =	sdelay $0x3  }
0x33: {  	p0 =	seq.s32 s10, $0x1;
	s10 =	sld [smem:$0x3FB9];
	_ =	sdelay $0x3  }
0x34: {  	[smem:$0x3FB9] =	sst s10  }
0x35: {  	s10 =	sld [smem:$0x3FB8];
	_ =	sdelay $0x3  }
0x36: {  	p1 =	seq.s32 s10, $0x1;
	s10 =	sld [smem:$0x3FB9];
	_ =	sdelay $0x3  }
0x37: {  	[smem:$0x3FB9] =	sst s10  }
0x38: {  	s10 =	sld [smem:$0x3FBA]  }
0x39: {  	_ = 	snop;
	(pc) =	sbr.ind lr, $3  }
0x3a: {  	_ = 	snop  }
0x3b: {  	_ = 	snop  }
0x3c: {  	p2 =	seq.s32 s10, $0x1;
	s10 =	sld [smem:$0x3FB9]  }
0x3d: {  	_ =	shalt  }
0x3e: {  	_ =	shalt  }
0x3f: {  	_ =	shalt  }
0x40: {  	_ =	shalt  }
0x41: {  	_ =	shalt  }
0x42: {  	_ =	shalt  }
0x43: {  	_ =	shalt  }
0x44: {  	_ =	shalt  }
0x45: {  	_ =	shalt  }
0x46: {  	_ =	shalt  }
0x47: {  	_ =	shalt  }
0x48: {  	_ =	shalt  }
0x49: {  	_ =	shalt  }
0x4a: {  	_ =	shalt  }
0x4b: {  	_ =	shalt  }
0x4c: {  	_ =	shalt  }
0x4d: {  	_ =	shalt  }
0x4e: {  	_ =	shalt  }
0x4f: {  	_ =	shalt  }
0x50: {  	_ =	shalt  }
0x51: {  	_ =	shalt  }
0x52: {  	_ =	shalt  }
0x53: {  	_ =	shalt  }
0x54: {  	_ =	shalt  }
0x55: {  	_ =	shalt  }
0x56: {  	_ =	shalt  }
0x57: {  	_ =	shalt  }
0x58: {  	_ =	shalt  }
0x59: {  	_ =	shalt  }
0x5a: {  	_ =	shalt  }
0x5b: {  	_ =	shalt  }
0x5c: {  	_ =	shalt  }
0x5d: {  	_ =	shalt  }
0x5e: {  	_ =	shalt  }
0x5f: {  	_ =	shalt  }
0x60: {  	_ =	shalt  }
0x61: {  	_ =	shalt  }
0x62: {  	_ =	shalt  }
0x63: {  	_ =	shalt  }
0x64: {  	_ =	shalt  }
0x65: {  	_ =	shalt  }
0x66: {  	_ =	shalt  }
0x67: {  	_ =	shalt  }
0x68: {  	_ =	shalt  }
0x69: {  	_ =	shalt  }
0x6a: {  	_ =	shalt  }
0x6b: {  	_ =	shalt  }
0x6c: {  	_ =	shalt  }
0x6d: {  	_ =	shalt  }
0x6e: {  	_ =	shalt  }
0x6f: {  	_ =	shalt  }
0x70: {  	_ =	shalt  }
0x71: {  	_ =	shalt  }
0x72: {  	_ =	shalt  }
0x73: {  	_ =	shalt  }
0x74: {  	_ =	shalt  }
0x75: {  	_ =	shalt  }
0x76: {  	_ =	shalt  }
0x77: {  	_ =	shalt  }
0x78: {  	_ =	shalt  }
0x79: {  	_ =	shalt  }
0x7a: {  	_ =	shalt  }
0x7b: {  	_ =	shalt  }
0x7c: {  	_ =	shalt  }
0x7d: {  	_ =	shalt  }
0x7e: {  	_ =	shalt  }
0x7f: {  	_ =	shalt  }
0x80: {  	_ =	shalt  }
0x81: {  	_ =	shalt  }
0x82: {  	_ =	shalt  }
0x83: {  	_ =	shalt  }
0x84: {  	_ =	shalt  }
0x85: {  	_ =	shalt  }
0x86: {  	_ =	shalt  }
0x87: {  	_ =	shalt  }
.Lfunc_end0:
.L_simem_size_0:
called_computation_lowered:
.L_overlay_start_0:
0x88: {  	s2 =	sld [smem:$0x3FD9]  }
0x89: {  	s3 =	sld [smem:$0x3FFE];
	_ =	sdelay $0x1  }
0x8a: {  	s1 =	srdreg.scid  }
0x8b: {  	s0 =	sand.u32 $0x1, s1  }
0x8c: {  	s17 =	sshll.u32 s0, $0xA;
	s2 =	sadd.s32 s3, s2  }
0x8d: {  	s2 =	sadd.s32 s2, s17  }
0x8e: {  	[smem:$0x3FC5] =	sst s2  }
0x8f: {  	_ = 	snop  }
0x90: {  	s2 =	sld [smem:$0x3FD0];
	(tm) =	ssettm $0x1  }
0x91: {  	s18 =	sld [smem:$0x3FFB];
	_ =	sdelay $0x3  }
0x92: {  	_ =	strace s18  }
0x93: {  	s3 =	sld [smem:$0x3FFC];
	_ =	sdelay $0x3  }
0x94: {  	_ =	strace s3  }
0x95: {  	s3 =	sld [smem:$0x3FFD];
	_ =	sdelay $0x3  }
0x96: {  	_ =	strace s3  }
0x97: {  	_ =	strace $0x8FFFFFFF  }
0x98: {  	s19 =	sld [smem:$0x3FDB];
	_ =	sdelay $0x1  }
0x99: {  	s4 =	simm.s32 $_scs_section_size  }
0x9a: {  	s5 =	simm.s32 $_size__tile_overlayer_lowered;
	s6 =	simm.s32 $_tile_overlayer_lowered  }
0x9b: {  	s22 =	simm.s32 $0x1BFF;
	s21 =	sshll.u32 s6, $0x1;
	s3 =	sadd.s32 s4, s19  }
0x9c: {  	s7 =	simm.s32 $0x0;
	s20 =	sshll.u32 s5, $0x1;
	s5 =	sadd.s32 s21, s3  }
0x9d: {  	[timem:s7], [sflag:s22] =	dma.local [hbm:s5], s20  }
0x9e: {  	_ =	swait.ge [sflag:s22], s20  }
0x9f: {  	s4 =	ssub.s32 $0x0, s20;
	[sflag:s22] =	ssyncset.done $0x0  }
0xa0: {  	[sflag:s22] =	ssyncadd.s32 s4;
	_ =	sdelay $0x1  }
0xa1: {  	s23 =	simm.s32 $0x1B8B  }
0xa2: {  	_ =	swait.ge [sflag:s23], $0x1  }
0xa3: {  	[sflag:s23] =	ssyncset.done $0x0  }
0xa4: {  	s25 =	simm.s32 $0x1B8E;
	s24 =	sld [smem:$0x3FFE];
	[sflag:s23] =	ssyncadd.s32 $0xFFFFFFFF  }
0xa5: {  	s26 =	simm.s32 $execute0_lowered;
	[smem:$0x3FD2] =	sst s25  }
0xa6: {  	s5 =	sshll.u32 s26, $0x1;
	_ =	strace $0x80000046;
	[dreg:$0x1] =	wrdreg $0xFFFFFFFF  }
0xa7: {  	s28 =	simm.s32 $_size_execute0_lowered;
	s3 =	sadd.s32 s3, s5;
	[dreg:$0x0] =	wrdreg $0x0  }
0xa8: {  	s5 =	sshll.u32 s28, $0x1;
	[dreg:$0x2] =	wrdreg s3  }
0xa9: {  	[dreg:$0x3] =	wrdreg s5  }
0xaa: {  	[dreg:$0x4] =	wrdreg $0xC0  }
0xab: {  	_ =	task [dreg:s7], $0x5FFFF  }
0xac: {  	[dreg:$0x1] =	wrdreg $0xFFFFFFFF  }
0xad: {  	[dreg:$0x0] =	wrdreg $0x60  }
0xae: {  	[dreg:$0x2] =	wrdreg s24  }
0xaf: {  	[dreg:$0x3] =	wrdreg s2  }
0xb0: {  	[dreg:$0x4] =	wrdreg $0x9  }
0xb1: {  	_ =	task.clear_ibuf [dreg:s7], $0x5FFFF;
	_ =	strace $0x90000046  }
0xb2: {  	s29 =	simm.s32 $0x9;
	_ =	strace $0x80000048  }
0xb3: {  	_ =	swait.ge [sflag:s29], $0x1  }
0xb4: {  	[sflag:s29] =	ssyncadd.s32 $0xFFFFFFFF  }
0xb5: {  	_ =	strace $0x90000048  }
0xb6: {  	_ =	sfence  }
0xb7: {  	s30 =	sld [smem:$0x0];
	_ =	sdelay $0x2  }
0xb8: {  	s31 =	sshll.u32 s1, $0xD;
	s1 =	sshrl.u32 s1, $0x2  }
0xb9: {  	s3 =	sand.u32 $0x4000, s31;
	s1 =	sadd.s32 s1, s30  }
0xba: {  	s0 =	sor.u32 s3, s0;
	s1 =	sshll.u32 s1, $0x11  }
0xbb: {  	s0 =	sor.u32 s1, s0  }
0xbc: {  	s0 =	sadd.s32 $0x8F2B, s0  }
0xbd: {  	[sflag:s0] =	ssyncadd.remote.s32 $0x1  }
0xbe: {  	_ =	sfence.sel $0xFFFF  }
0xbf: {  	[dreg:$0x0] =	wrdreg $0xFFFFFFFF;
	(pc) =	sbr.abs _section_cstart, $3  }
0xc0: {  	[dreg:$0x1] =	wrdreg $0xFFFFFFFF  }
0xc1: {  	_ =	task.clear_ibuf [dreg:s7], $0x2FFFF;
	_ =	strace $0x9FFFFFFF  }
0xc2: {  	(tm) =	ssettm $0x7FFFFFFF  }
0xc3: {  	_ =	shalt  }
tec
execute0_lowered:
.L_overlay_start_1:
0x0: {  	(tag) =	ssettag $0x1  }
0x1: {  	s4 =	rddreg [dreg:$0x0];
	s1 =	srdreg.scid  }
0x2: {  	s0 =	stileid.u32;
	s6 =	rddreg [dreg:$0x1];
	s2 =	simm.s32 $0x0  }
0x3: {  	s11 =	simm.s32 $0x2200;
	s12 =	simm.s32 $0x100;
	s13 =	simm.s32 $0x4200  }
0x4: {  	s14 =	simm.s32 $0x180;
	s15 =	simm.s32 $0x6200;
	s16 =	simm.s32 $0x8200  }
0x5: {  	s17 =	simm.s32 $0x1;
	s3 =	sand.u32 $0x1, s1;
	s1 =	rddreg [dreg:$0x2]  }
0x6: {  	s18 =	simm.s32 $0x0;
	s5 =	sshll.u32 s0, $0x1;
	[smem:$0x7FF] =	sst s2  }
0x7: {  	s5 =	sor.u32 s3, s5;
	_ =	strace $0x80000047;
	s8 =	ssub.s32 $0x2, s3  }
0x8: {  	s3 =	sadd.s32 $0xF42E00, s4;
	s7 =	sshll.u32 s5, $0x6;
	s9 =	sshll.u32 s5, $0xA  }
0x9: {  	s10 =	sshrl.u32 s8, $0x1;
	s31 =	sshll.u32 s5, $0xC;
	s7 =	sadd.s32 s7, s4  }
0xa: {  	s9 =	sadd.s32 s9, s4;
	s8 =	ssub.s32 s8, s10;
	s6 =	sadd.s32 s6, s31  }
0xb: {  	s10 =	simm.s32 $0x200;
	s4 =	sadd.s32 $0x8A00, s7;
	s5 =	sadd.s32 $0xA00, s9  }
0xc: {  	s7 =	smax.u32 s8, $0x1;
	s8 =	simm.s32 $0x2;
	s9 =	simm.s32 $0x80  }
.LBB2_1:
0xd: {  	[tilespmem:s2], [sflag:$0x2] =	stream.linear.gather [hbm4b:s4+s2], $0x200, $0x38;
	[tilespmem:$0xA200] =	vst v63  }
0xe: {  	_ =	swait.ge [sflag:s8], $0x200  }
0xf: {  	[sflag:s8] =	ssyncset.done $0x0  }
0x10: {  	[sflag:s8] =	ssyncadd.s32 $0xFFFFFE00  }
0x11: {  	[tilespmem:s10], [sflag:$0x1] =	stream.indirect.gather [hbm4b:s3+s9], $0x40, s2, s9, $0xb8;
	[tilespmem:$0xA200] =	vst v63  }
0x12: {  	_ = 	snop  }
0x13: {  	[tilespmem:s11], [sflag:$0x1] =	stream.indirect.gather [hbm4b:s3+s9], $0x40, s9, s9, $0xb8;
	[tilespmem:$0xA200] =	vst v63  }
0x14: {  	_ = 	snop  }
0x15: {  	[tilespmem:s13], [sflag:$0x1] =	stream.indirect.gather [hbm4b:s3+s9], $0x40, s12, s9, $0xb8;
	[tilespmem:$0xA200] =	vst v63  }
0x16: {  	_ = 	snop  }
0x17: {  	[tilespmem:s15], [sflag:$0x1] =	stream.indirect.gather [hbm4b:s3+s9], $0x40, s14, s9, $0xb8;
	[tilespmem:$0xA200] =	vst v63  }
0x18: {  	_ = 	snop  }
0x19: {  	[tilespmem:s16], [sflag:$0x2] =	stream.linear.gather [hbm4b:s5+s2], $0x2000, $0x38;
	[tilespmem:$0xA200] =	vst v63  }
0x1a: {  	_ =	swait.ge [sflag:s8], $0x2000  }
0x1b: {  	[sflag:s8] =	ssyncset.done $0x0  }
0x1c: {  	[sflag:s8] =	ssyncadd.s32 $0xFFFFE000  }
0x1d: {  	_ =	swait.ge [sflag:s17], $0x2000  }
0x1e: {  	[sflag:s17] =	ssyncset.done $0x0  }
0x1f: {  	[sflag:s17] =	ssyncadd.s32 $0xFFFFE000  }
0x20: {  	_ =	swait.ge [sflag:s17], $0x2000  }
0x21: {  	[sflag:s17] =	ssyncset.done $0x0  }
0x22: {  	[sflag:s17] =	ssyncadd.s32 $0xFFFFE000  }
0x23: {  	_ =	swait.ge [sflag:s17], $0x2000  }
0x24: {  	[sflag:s17] =	ssyncset.done $0x0  }
0x25: {  	[sflag:s17] =	ssyncadd.s32 $0xFFFFE000  }
0x26: {  	_ =	swait.ge [sflag:s17], $0x2000  }
0x27: {  	[sflag:s17] =	ssyncset.done $0x0  }
0x28: {  	s19 =	simm.s32 $0x280;
	[sflag:s17] =	ssyncadd.s32 $0xFFFFE000  }
0x29: {  	v0 =	vld [tilespmem:s19+$0x40]  }
0x2a: {  	s20 =	simm.s32 $0x0;
	v1 =	vld [tilespmem:s19+$0xFFFFFFC0]  }
0x2b: {  	v2 =	vld [tilespmem:s20+$0x8200]  }
0x2c: {  	v3 =	vld [tilespmem:s19+$0x0]  }
0x2d: {  	v4 =	vld [tilespmem:s19+$0xFFFFFF80];
	_ =	sdelay $0x1  }
0x2e: {  	v0 =	vmul.f32 $8.000000000e+00, v0  }
0x2f: {  	v1 =	vmul.f32 $8.000000000e+00, v1  }
0x30: {  	v3 =	vmul.f32 $8.000000000e+00, v3;
	v0 =	vadd.f32 v0, v2  }
0x31: {  	v4 =	vmul.f32 $8.000000000e+00, v4;
	v1 =	vadd.f32 v1, v2  }
0x32: {  	[tilespmem:s19+$0x40] =	vst v0;
	v0 =	vadd.f32 v3, v2  }
0x33: {  	v2 =	vadd.f32 v4, v2;
	v4 =	vld [tilespmem:s19+$0x50];
	[tilespmem:s19+$0xFFFFFFC0] =	vst v1  }
0x34: {  	v1 =	vld [tilespmem:s19+$0xFFFFFFD0];
	[tilespmem:s19+$0x0] =	vst v0  }
0x35: {  	v0 =	vld [tilespmem:s19+$0xFFFFFF90];
	[tilespmem:s19+$0xFFFFFF80] =	vst v2  }
0x36: {  	v2 =	vld [tilespmem:s20+$0x8210]  }
0x37: {  	v3 =	vld [tilespmem:s19+$0x10];
	_ =	sdelay $0x1  }
0x38: {  	v4 =	vmul.f32 $8.000000000e+00, v4  }
0x39: {  	v1 =	vmul.f32 $8.000000000e+00, v1  }
0x3a: {  	v0 =	vmul.f32 $8.000000000e+00, v0;
	v4 =	vadd.f32 v4, v2  }
0x3b: {  	v3 =	vmul.f32 $8.000000000e+00, v3;
	v1 =	vadd.f32 v1, v2  }
0x3c: {  	v0 =	vadd.f32 v0, v2;
	[tilespmem:s19+$0x50] =	vst v4  }
0x3d: {  	v2 =	vadd.f32 v3, v2;
	v3 =	vld [tilespmem:s19+$0x60];
	[tilespmem:s19+$0xFFFFFFD0] =	vst v1  }
0x3e: {  	v1 =	vld [tilespmem:s19+$0xFFFFFFA0];
	[tilespmem:s19+$0xFFFFFF90] =	vst v0  }
0x3f: {  	[tilespmem:s19+$0x10] =	vst v2;
	v2 =	vld [tilespmem:s19+$0x20]  }
0x40: {  	v4 =	vld [tilespmem:s20+$0x8220]  }
0x41: {  	v0 =	vld [tilespmem:s19+$0xFFFFFFE0];
	_ =	sdelay $0x1  }
0x42: {  	v1 =	vmul.f32 $8.000000000e+00, v1  }
0x43: {  	v3 =	vmul.f32 $8.000000000e+00, v3  }
0x44: {  	v2 =	vmul.f32 $8.000000000e+00, v2;
	v1 =	vadd.f32 v1, v4  }
0x45: {  	v5 =	vmul.f32 $8.000000000e+00, v0;
	v3 =	vadd.f32 v3, v4  }
0x46: {  	v0 =	vld [tilespmem:s19+$0xFFFFFFF0];
	v6 =	vadd.f32 v2, v4;
	[tilespmem:s19+$0xFFFFFFA0] =	vst v1  }
0x47: {  	v2 =	vld [tilespmem:s19+$0x70];
	v1 =	vadd.f32 v5, v4;
	[tilespmem:s19+$0x60] =	vst v3  }
0x48: {  	v3 =	vld [tilespmem:s19+$0xFFFFFFB0];
	[tilespmem:s19+$0x20] =	vst v6  }
0x49: {  	v4 =	vld [tilespmem:s19+$0x30];
	[tilespmem:s19+$0xFFFFFFE0] =	vst v1  }
0x4a: {  	s21 =	simm.s32 $0x100;
	v1 =	vld [tilespmem:s20+$0x8230];
	s20 =	simm.s32 $0x280  }
.LBB2_2:
0x4b: {  	p0 =	sne.s32 s21, $0x7F00  }
0x4c: {  	s19 =	sadd.s32 $0x100, s19;
	s22 =	smov.u32 s21;
	s21 =	sadd.s32 $0x100, s21  }
0x4d: {  	_ = 	snop  }
0x4e: {  	v0 =	vmul.f32 $8.000000000e+00, v0;
	v3 =	vmul.f32 $8.000000000e+00, v3  }
0x4f: {  	v2 =	vmul.f32 $8.000000000e+00, v2;
	v4 =	vmul.f32 $8.000000000e+00, v4  }
0x50: {  	v3 =	vadd.f32 v3, v1;
	v0 =	vadd.f32 v0, v1  }
0x51: {  	v4 =	vadd.f32 v4, v1;
	v1 =	vadd.f32 v2, v1  }
0x52: {  	[tilespmem:s20+$0xFFFFFFB0] =	vst v3  }
0x53: {  	v2 =	vld [tilespmem:s19+$0xFFFFFFC0];
	[tilespmem:s20+$0xFFFFFFF0] =	vst v0  }
0x54: {  	v0 =	vld [tilespmem:s19+$0x40];
	[tilespmem:s20+$0x70] =	vst v1  }
0x55: {  	s22 =	sshra.s32 s22, $0x2;
	v1 =	vld [tilespmem:s19+$0x0];
	[tilespmem:s20+$0x30] =	vst v4;
	s20 =	smov.u32 s19  }
0x56: {  	v3 =	vld [tilespmem:s22+$0x8200]  }
0x57: {  	v4 =	vld [tilespmem:s19+$0xFFFFFF80];
	_ =	sdelay $0x1  }
0x58: {  	v0 =	vmul.f32 $8.000000000e+00, v0  }
0x59: {  	v1 =	vmul.f32 $8.000000000e+00, v1  }
0x5a: {  	v2 =	vmul.f32 $8.000000000e+00, v2;
	v0 =	vadd.f32 v0, v3  }
0x5b: {  	v4 =	vmul.f32 $8.000000000e+00, v4;
	v1 =	vadd.f32 v1, v3  }
0x5c: {  	v2 =	vadd.f32 v2, v3;
	[tilespmem:s19+$0x40] =	vst v0;
	v0 =	vld [tilespmem:s19+$0x10]  }
0x5d: {  	v3 =	vadd.f32 v4, v3;
	[tilespmem:s19+$0x0] =	vst v1;
	v1 =	vld [tilespmem:s19+$0x50]  }
0x5e: {  	[tilespmem:s19+$0xFFFFFFC0] =	vst v2;
	v2 =	vld [tilespmem:s19+$0xFFFFFF90]  }
0x5f: {  	[tilespmem:s19+$0xFFFFFF80] =	vst v3;
	v3 =	vld [tilespmem:s19+$0xFFFFFFD0]  }
0x60: {  	v4 =	vld [tilespmem:s22+$0x8210];
	_ =	sdelay $0x1  }
0x61: {  	v1 =	vmul.f32 $8.000000000e+00, v1  }
0x62: {  	v0 =	vmul.f32 $8.000000000e+00, v0;
	v2 =	vmul.f32 $8.000000000e+00, v2  }
0x63: {  	v3 =	vmul.f32 $8.000000000e+00, v3  }
0x64: {  	v2 =	vadd.f32 v2, v4;
	v1 =	vadd.f32 v1, v4  }
0x65: {  	v0 =	vadd.f32 v0, v4;
	v3 =	vadd.f32 v3, v4  }
0x66: {  	[tilespmem:s19+$0x50] =	vst v1;
	v1 =	vld [tilespmem:s19+$0x60]  }
0x67: {  	[tilespmem:s19+$0xFFFFFF90] =	vst v2;
	v2 =	vld [tilespmem:s19+$0xFFFFFFE0]  }
0x68: {  	[tilespmem:s19+$0xFFFFFFD0] =	vst v3;
	v3 =	vld [tilespmem:s19+$0xFFFFFFA0]  }
0x69: {  	[tilespmem:s19+$0x10] =	vst v0;
	v0 =	vld [tilespmem:s19+$0x20]  }
0x6a: {  	v4 =	vld [tilespmem:s22+$0x8220];
	_ =	sdelay $0x2  }
0x6b: {  	v2 =	vmul.f32 $8.000000000e+00, v2;
	v3 =	vmul.f32 $8.000000000e+00, v3  }
0x6c: {  	v1 =	vmul.f32 $8.000000000e+00, v1;
	v0 =	vmul.f32 $8.000000000e+00, v0  }
0x6d: {  	v3 =	vadd.f32 v3, v4;
	v2 =	vadd.f32 v2, v4  }
0x6e: {  	v1 =	vadd.f32 v1, v4;
	v5 =	vadd.f32 v0, v4  }
.Ltmp0:
0x6f: {  	[tilespmem:s19+$0xFFFFFFA0] =	vst v3;
	v0 =	vld [tilespmem:s19+$0xFFFFFFF0];
	(pc) =	sbr.rel @p0 .LBB2_2-.Ltmp0, $4  }
0x70: {  	[tilespmem:s19+$0x60] =	vst v1;
	v3 =	vld [tilespmem:s19+$0xFFFFFFB0]  }
0x71: {  	[tilespmem:s19+$0xFFFFFFE0] =	vst v2;
	v2 =	vld [tilespmem:s19+$0x70]  }
0x72: {  	[tilespmem:s19+$0x20] =	vst v5;
	v4 =	vld [tilespmem:s19+$0x30]  }
0x73: {  	v1 =	vld [tilespmem:s22+$0x8230]  }
0x74: {  	_ =	sdelay $0x1  }
0x75: {  	v3 =	vmul.f32 $8.000000000e+00, v3  }
0x76: {  	v0 =	vmul.f32 $8.000000000e+00, v0  }
0x77: {  	v2 =	vmul.f32 $8.000000000e+00, v2;
	v3 =	vadd.f32 v3, v1  }
0x78: {  	v4 =	vmul.f32 $8.000000000e+00, v4;
	v0 =	vadd.f32 v0, v1  }
0x79: {  	v2 =	vadd.f32 v2, v1;
	[tilespmem:s20+$0xFFFFFFB0] =	vst v3  }
0x7a: {  	s18 =	sadd.s32 $0x1, s18;
	v63 =	vadd.f32 v4, v1;
	[tilespmem:s20+$0xFFFFFFF0] =	vst v0  }
0x7b: {  	p0 =	sne.s32 s18, s7;
	[tilespmem:s20+$0x70] =	vst v2  }
.Ltmp1:
0x7c: {  	[tilespmem:s20+$0x30] =	vst v63;
	(pc) =	sbr.rel @p0 .LBB2_1-.Ltmp1, $4  }
0x7d: {  	[hbm4b:s6+s2] =	stream.linear.scatter [tilespmem:s10], [sflag:$0x2], $0x8000, $0x38;
	[tilespmem:$0xA200] =	vst v63  }
0x7e: {  	_ =	swait.ge [sflag:s8], $0x8000  }
0x7f: {  	[sflag:s8] =	ssyncset.done $0x0  }
0x80: {  	[sflag:s8] =	ssyncadd.s32 $0xFFFF8000  }
0x81: {  	_ =	sfence.sel $0x180000  }
0x82: {  	[bflag:$0x0] =	sbarrier.arrive $0xFFFF  }
0x83: {  	p0 =	sne.s32 s0, $0x0;
	_ =	strace $0x90000047  }
0x84: {  	s0 =	sadd.s32 @!p0 $0x100000, s1;
	[bflag:$0x2] =	sbarrier.arrive $0xFFFF  }
0x85: {  	[sflag:s0] =	ssyncadd.tile.s32 @!p0 $0x1;
	_ =	shalt  }
.Lfunc_end2:
_tile_overlayer_lowered:
.L_overlay_start_2:
0x86: {  	(tag) =	ssettag $0x2  }
0x87: {  	s0 =	rddreg [dreg:$0x0];
	s2 =	stileid.u32  }
0x88: {  	s1 =	rddreg [dreg:$0x1];
	p0 =	sne.s32 s2, $0x0  }
0x89: {  	s3 =	rddreg [dreg:$0x2];
	[bflag:$0x3] =	sbarrier.arrive $0xFFFF;
	s2 =	simm.s32 @!p0 $0x1C02  }
0x8a: {  	[timem:s3], [sflag:s2] =	dma.local @!p0 [hbm:s0], s1  }
0x8b: {  	s0 =	simm.s32 @!p0 $0x2  }
0x8c: {  	_ =	swait.ge @!p0 [sflag:s0], s1  }
0x8d: {  	s1 =	ssub.s32 @!p0 $0x0, s1;
	[sflag:s0] =	ssyncset.done @!p0 $0x0  }
0x8e: {  	[sflag:s0] =	ssyncadd.s32 @!p0 s1  }
0x8f: {  	[bflag:$0x3] =	sbarrier.arrive $0xFFFF  }
0x90: {  	_ =	shalt  }

</sc_bundles>
